<compile_context>
chip_gen: v7x
topology: tpu7x:2x2x1
jax: 0.10.2.dev20260603
libtpu: 0.0.44.dev20260713+nightly
codegen_flags: <defaults>
</compile_context>

<pallas_src>
import functools
import math

import jax
import jax.numpy as jnp
from jax import lax
from jax.experimental import pallas as pl
from jax.experimental.pallas import tpu as pltpu
from jax.experimental.pallas import tpu_sc as plsc

_E = 160000
_N = 10000
_D = 16
_H = 256
_SEG = 10000

_NC = 2
_NS = 16
_NW = _NC * _NS
_BPW = _E // _NW
_GCH = 125
_NCH = _BPW // _GCH
_RPS = _SEG // _NS

@functools.cache
def _sc_mesh():
    return plsc.VectorSubcoreMesh(core_axis_name="c", subcore_axis_name="s")


def _gather_body(nodes_hbm, src_hbm, out_hbm, idx_v, rows_v, sem):
    nch = src_hbm.shape[1]
    wid = lax.axis_index("s") * _NC + lax.axis_index("c")
    pltpu.sync_copy(src_hbm.at[wid], idx_v)

    def fire(g, c):
        pltpu.async_copy(nodes_hbm.at[idx_v.at[g]], rows_v.at[g], sem)
        return c

    lax.fori_loop(0, nch, fire, 0)

    def drain(g, c):
        pltpu.make_async_copy(nodes_hbm.at[idx_v.at[g]], rows_v.at[g], sem).wait()
        return c

    lax.fori_loop(0, nch, drain, 0)
    pltpu.sync_copy(rows_v, out_hbm.at[wid])


@jax.jit
def _sc_gather(node_features, src_perm):
    e_loc = src_perm.shape[0]
    nch = e_loc // _NW // _GCH
    src = src_perm.reshape(_NW, nch, _GCH).astype(jnp.int32)
    out = pl.kernel(
        _gather_body,
        out_type=jax.ShapeDtypeStruct((_NW, nch, _GCH, _D), jnp.float32),
        mesh=_sc_mesh(),
        scratch_types=[
            pltpu.VMEM((nch, _GCH), jnp.int32),
            pltpu.VMEM((nch, _GCH, _D), jnp.float32),
            pltpu.SemaphoreType.DMA,
        ],
        compiler_params=pltpu.CompilerParams(use_tc_tiling_on_sc=False),
    )(node_features, src)
    return out.reshape(e_loc // 8, 128)


_BE = 16000
_BR = _BE // 8



def _tc_body(es_ref, x1p_ref, attr_ref, w1_ref, w2_ref, r_ref, s_ref, efp_ref):
    h = lax.dot_general(es_ref[...], w1_ref[...], (((0,), (0,)), ((), ())),
                        preferred_element_type=jnp.float32)
    h = jnp.maximum(h, 0.0)
    w = jnp.dot(h, w2_ref[...], preferred_element_type=jnp.float32)
    scale_row = jnp.full((1, _D), 1.0 / 256.0, jnp.float32)
    attr_bc = lax.dot_general(attr_ref[0], scale_row, (((0,), (0,)), ((), ())),
                              preferred_element_type=jnp.float32)
    x1p = x1p_ref[...]
    pieces = []
    for s in range(8):
        xs = x1p[:, s * _D:(s + 1) * _D]
        x1e = jnp.dot(xs, r_ref[...], preferred_element_type=jnp.float32)
        t = x1e * w[s * _BR:(s + 1) * _BR, :]
        ef_s = jnp.dot(t, s_ref[...], preferred_element_type=jnp.float32)
        pieces.append(ef_s * attr_bc[s * _BR:(s + 1) * _BR, :])
    efp_ref[...] = jnp.concatenate(pieces, axis=1)


@jax.jit
def _tc_fused(edge_scalars, x1p, edge_attr, W1, W2):
    j = jnp.arange(_H)
    r_mat = (j[None, :] // _D == jnp.arange(_D)[:, None]).astype(jnp.float32)
    s_mat = (j[:, None] % _D == jnp.arange(_D)[None, :]).astype(jnp.float32)
    e_loc = x1p.shape[0] * 8
    es_t = edge_scalars.T
    W1 = W1 * (1.0 / math.sqrt(3.0))
    attr_rows = edge_attr.reshape(e_loc // _BE, 1, _BE)
    grid = e_loc // _BE
    return pl.pallas_call(
        _tc_body,
        grid=(grid,),
        in_specs=[
            pl.BlockSpec((3, _BE), lambda i: (0, i)),
            pl.BlockSpec((_BR, 128), lambda i: (i, 0)),
            pl.BlockSpec((1, 1, _BE), lambda i: (i, 0, 0)),
            pl.BlockSpec((3, _H), lambda i: (0, 0)),
            pl.BlockSpec((_H, _H), lambda i: (0, 0)),
            pl.BlockSpec((_D, _H), lambda i: (0, 0)),
            pl.BlockSpec((_H, _D), lambda i: (0, 0)),
        ],
        out_specs=pl.BlockSpec((_BR, 128), lambda i: (i, 0)),
        out_shape=jax.ShapeDtypeStruct((e_loc // 8, 128), jnp.float32),
        compiler_params=pltpu.CompilerParams(
            dimension_semantics=("arbitrary",)),
    )(es_t, x1p, attr_rows, W1, W2, r_mat, s_mat)


def _pack_perm(idx):
    return idx.reshape(idx.shape[0] // _BE, 8, _BR).transpose(0, 2, 1).reshape(-1)


def _scatter_body(ef_hbm, dst_hbm, zero_hbm, out_hbm, idx_v, rows_v, acc_sh, sem):
    nch = dst_hbm.shape[1]
    cid = lax.axis_index("c")
    sid = lax.axis_index("s")
    wid = sid * _NC + cid
    pltpu.sync_copy(zero_hbm.at[pl.ds(sid * _RPS, _RPS)],
                    acc_sh.at[pl.ds(sid * _RPS, _RPS)])
    plsc.subcore_barrier()
    pltpu.sync_copy(ef_hbm.at[wid], rows_v)
    pltpu.sync_copy(dst_hbm.at[wid], idx_v)

    def fire(g, c):
        pltpu.async_copy(rows_v.at[g], acc_sh.at[idx_v.at[g]], sem, add=True)
        return c

    lax.fori_loop(0, nch, fire, 0)

    def drain(g, c):
        pltpu.make_async_copy(rows_v.at[g], acc_sh.at[idx_v.at[g]], sem).wait()
        return c

    lax.fori_loop(0, nch, drain, 0)
    plsc.subcore_barrier()
    pltpu.sync_copy(acc_sh.at[pl.ds(sid * _RPS, _RPS)],
                    out_hbm.at[cid, pl.ds(sid * _RPS, _RPS)])


@jax.jit
def _sc_scatter(efp, dst_perm):
    e_loc = dst_perm.shape[0]
    nch = e_loc // _NW // _GCH
    dst = dst_perm.reshape(_NW, nch, _GCH).astype(jnp.int32)
    efr = efp.reshape(_NW, nch, _GCH, _D)
    zero = jnp.zeros((_SEG, _D), jnp.float32)
    partials = pl.kernel(
        _scatter_body,
        out_type=jax.ShapeDtypeStruct((_NC, _SEG, _D), jnp.float32),
        mesh=_sc_mesh(),
        scratch_types=[
            pltpu.VMEM((nch, _GCH), jnp.int32),
            pltpu.VMEM((nch, _GCH, _D), jnp.float32),
            pltpu.VMEM_SHARED((_SEG, _D), jnp.float32),
            pltpu.SemaphoreType.DMA,
        ],
        compiler_params=pltpu.CompilerParams(use_tc_tiling_on_sc=False),
    )(efr, dst, zero)
    return partials[0] + partials[1]


def kernel(node_features, edge_src, edge_dst, edge_attr, edge_scalars, W1, W2):
    half = _E // 2
    out = None
    for lo in (0, half):
        sl = slice(lo, lo + half)
        x1p = _sc_gather(node_features, _pack_perm(edge_src[sl]))
        efp = _tc_fused(edge_scalars[sl], x1p, edge_attr[sl], W1, W2)
        part = _sc_scatter(efp, _pack_perm(edge_dst[sl]))
        out = part if out is None else out + part
    return out

# --- scband reference (transcript-rebuilt; emitter-appended) ---
"""Pipeline reference for scband-convolution-66726611910944 (READ-ONLY COPY).

The authoritative reference and input builder live on the scoring server;
editing this copy changes nothing except your own understanding.
"""

import jax, jax.numpy as jnp
import numpy as np

MUL_IN = 16
MUL_SH = 1
MUL_OUT = 16
WEIGHT_NUMEL = MUL_IN * MUL_SH * MUL_OUT  # 256, per-edge tp weights
HIDDEN = 256
NUM_NODES = 10000
NUM_EDGES = 160000
NUM_NEIGHBORS = 16
NUM_SHAPES = 2500  # output dim_size = 4 * num_shapes = 10000


def setup_inputs(seed: int = 0) -> dict:
    key = jax.random.key(seed)
    ks = jax.random.split(key, 8)
    node_features = jax.random.normal(ks[0], (NUM_NODES, MUL_IN), dtype=jnp.float32)
    edge_src = jax.random.randint(ks[1], (NUM_EDGES,), 0, NUM_NODES, dtype=jnp.int64 if jax.config.jax_enable_x64 else jnp.int32)
    edge_dst = jax.random.randint(ks[2], (NUM_EDGES,), 0, NUM_NODES, dtype=jnp.int64 if jax.config.jax_enable_x64 else jnp.int32)
    edge_attr = jax.random.normal(ks[3], (NUM_EDGES, MUL_SH), dtype=jnp.float32)
    edge_scalars = jax.random.normal(ks[4], (NUM_EDGES, 3), dtype=jnp.float32)
    # FullyConnectedNet([3, 256, weight_numel]) parameters (e3nn-style unit-variance init)
    W1 = jax.random.normal(ks[5], (3, HIDDEN), dtype=jnp.float32)
    W2 = jax.random.normal(ks[6], (HIDDEN, WEIGHT_NUMEL), dtype=jnp.float32)
    return {
        "node_features": node_features,
        "edge_src": edge_src,
        "edge_dst": edge_dst,
        "edge_attr": edge_attr,
        "edge_scalars": edge_scalars,
        "W1": W1,
        "W2": W2,
    }


def reference(node_features, edge_src, edge_dst, edge_attr, edge_scalars, W1, W2):
    # FullyConnectedNet([3, 256, weight_numel], relu) with e3nn variance-preserving scaling
    h = jax.nn.relu((edge_scalars @ W1) / jnp.sqrt(3.0))
    weight = (h @ W2) / jnp.sqrt(float(HIDDEN))  # [E, weight_numel]
    # FullyConnectedTensorProduct (uvw, scalar irreps) with external per-edge weights
    w = weight.reshape(-1, MUL_IN, MUL_SH, MUL_OUT)
    x1 = node_features[edge_src]  # gather [E, MUL_IN]
    edge_features = jnp.einsum('ei,ej,eijk->ek', x1, edge_attr, w) / jnp.sqrt(float(MUL_IN * MUL_SH))
    # scatter-add over destination nodes, dim_size = 4 * num_shapes
    out = jax.ops.segment_sum(edge_features, edge_dst, num_segments=4 * NUM_SHAPES)
    out = out / (NUM_NEIGHBORS ** 0.5)
    return out

if __name__ == "__main__":
    import jax
    _d = setup_inputs()
    print(jax.jit(kernel)(*tuple(_d.values())))

</pallas_src>

<mosaic_0001>
#map = affine_map<(d0, d1) -> (0, 0)>
#map1 = affine_map<(d0, d1) -> (0, 0, 0)>
#map2 = affine_map<(d0, d1) -> (0, 0, 0, 0)>
module attributes {stable_mosaic.version = 14 : i64} {
  func.func @_gather_body(%arg0: i32, %arg1: i32, %arg2: memref<10000x16xf32, #tpu.memory_space<hbm>>, %arg3: memref<32x20x125xi32, #tpu.memory_space<hbm>>, %arg4: memref<32x20x125x16xf32, #tpu.memory_space<hbm>>, %arg5: memref<20x125xi32, #tpu.memory_space<vmem>>, %arg6: memref<20x125x16xf32, #tpu.memory_space<vmem>>, %arg7: memref<!tpu.dma_semaphore, #tpu.memory_space<semaphore_mem>>) attributes {dimension_semantics = [#tpu.dimension_semantics<core_parallel>, #tpu.dimension_semantics<subcore_parallel>], iteration_bounds = array<i64: 2, 16>, scalar_prefetch = 0 : i64, scratch_operands = 3 : i64, tpu.core_type = #tpu.core_type<sc_vector_subcore>, window_params = [{transform_indices = #map}, {transform_indices = #map1}, {transform_indices = #map2}]} {
    %mul3A = arith.constant 2 : i32
    %mul3A_0 = arith.muli %arg1, %mul3A : i32
    %add3A = arith.addi %mul3A_0, %arg0 : i32
    "tpu.region"() ({
      %run_scoped3A = tpu.sem_alloc : memref<!tpu.dma_semaphore, #tpu.memory_space<semaphore_mem>>
      %dma_start3A = arith.constant 0 : i32
      %dma_start3A_12 = arith.constant 0 : i32
      %dma_start3A_13 = tpu.memref_slice %arg3[%add3A, %dma_start3A, %dma_start3A_12] : memref<32x20x125xi32, #tpu.memory_space<hbm>> -> memref<1x20x125xi32, #tpu.memory_space<hbm>>
      %dma_start3A_14 = tpu.memref_squeeze %dma_start3A_13 : memref<1x20x125xi32, #tpu.memory_space<hbm>> -> memref<20x125xi32, #tpu.memory_space<hbm>>
      %dma_start3A_15 = arith.constant 0 : i32
      %dma_start3A_16 = arith.constant 0 : i32
      %dma_start3A_17 = tpu.memref_slice %arg3[%add3A, %dma_start3A_15, %dma_start3A_16] : memref<32x20x125xi32, #tpu.memory_space<hbm>> -> memref<1x20x125xi32, #tpu.memory_space<hbm>>
      %dma_start3A_18 = tpu.memref_squeeze %dma_start3A_17 : memref<1x20x125xi32, #tpu.memory_space<hbm>> -> memref<20x125xi32, #tpu.memory_space<hbm>>
      tpu.enqueue_dma source(%dma_start3A_18 : memref<20x125xi32, #tpu.memory_space<hbm>>) target(%arg5 : memref<20x125xi32, #tpu.memory_space<vmem>>) target_semaphore(%run_scoped3A : memref<!tpu.dma_semaphore, #tpu.memory_space<semaphore_mem>>)
      %dma_wait3A = arith.constant 0 : i32
      %dma_wait3A_19 = arith.constant 0 : i32
      %dma_wait3A_20 = tpu.memref_slice %arg3[%add3A, %dma_wait3A, %dma_wait3A_19] : memref<32x20x125xi32, #tpu.memory_space<hbm>> -> memref<1x20x125xi32, #tpu.memory_space<hbm>>
      %dma_wait3A_21 = tpu.memref_squeeze %dma_wait3A_20 : memref<1x20x125xi32, #tpu.memory_space<hbm>> -> memref<20x125xi32, #tpu.memory_space<hbm>>
      %dma_wait3A_22 = arith.constant 0 : i32
      %dma_wait3A_23 = arith.constant 0 : i32
      %dma_wait3A_24 = tpu.memref_slice %arg3[%add3A, %dma_wait3A_22, %dma_wait3A_23] : memref<32x20x125xi32, #tpu.memory_space<hbm>> -> memref<1x20x125xi32, #tpu.memory_space<hbm>>
      %dma_wait3A_25 = tpu.memref_squeeze %dma_wait3A_24 : memref<1x20x125xi32, #tpu.memory_space<hbm>> -> memref<20x125xi32, #tpu.memory_space<hbm>>
      tpu.wait_dma2 semaphore(%run_scoped3A : memref<!tpu.dma_semaphore, #tpu.memory_space<semaphore_mem>>) src(%dma_wait3A_25 : memref<20x125xi32, #tpu.memory_space<hbm>>) dst(%arg5 : memref<20x125xi32, #tpu.memory_space<vmem>>)
      tpu.yield
    }) : () -> ()
    %scan3A = arith.constant 0 : i32
    %scan3A_1 = arith.constant 0 : i32
    %scan3A_2 = arith.constant 20 : i32
    %scan3A_3 = arith.addi %scan3A_1, %scan3A_2 : i32
    %scan3A_4 = arith.constant 1 : i32
    scf.for %scan3A_12 = %scan3A_1 to %scan3A_3 step %scan3A_4  : i32 {
      %dma_start3A = arith.constant 0 : i32
      %dma_start3A_13 = arith.constant 0 : i32
      %dma_start3A_14 = tpu.memref_slice %arg6[%scan3A_12, %dma_start3A, %dma_start3A_13] : memref<20x125x16xf32, #tpu.memory_space<vmem>> -> memref<1x125x16xf32, #tpu.memory_space<vmem>>
      %dma_start3A_15 = tpu.memref_squeeze %dma_start3A_14 : memref<1x125x16xf32, #tpu.memory_space<vmem>> -> memref<125x16xf32, #tpu.memory_space<vmem>>
      %dma_start3A_16 = arith.constant 0 : i32
      %dma_start3A_17 = tpu.memref_slice %arg5[%scan3A_12, %dma_start3A_16] : memref<20x125xi32, #tpu.memory_space<vmem>> -> memref<1x125xi32, #tpu.memory_space<vmem>>
      %dma_start3A_18 = tpu.memref_squeeze %dma_start3A_17 : memref<1x125xi32, #tpu.memory_space<vmem>> -> memref<125xi32, #tpu.memory_space<vmem>>
      %dma_start3A_19 = arith.constant 0 : i32
      %dma_start3A_20 = arith.constant 0 : i32
      %dma_start3A_21 = tpu.memref_slice %arg2[%dma_start3A_19, %dma_start3A_20] : memref<10000x16xf32, #tpu.memory_space<hbm>> -> memref<10000x16xf32, #tpu.memory_space<hbm>>
      tpu.enqueue_indirect_dma source(%dma_start3A_21 : memref<10000x16xf32, #tpu.memory_space<hbm>>) target(%dma_start3A_15 : memref<125x16xf32, #tpu.memory_space<vmem>>) offsets(%dma_start3A_18 : memref<125xi32, #tpu.memory_space<vmem>>) semaphore(%arg7 : memref<!tpu.dma_semaphore, #tpu.memory_space<semaphore_mem>>)
    }
    %scan3A_5 = arith.constant 20 : i32
    %scan3A_6 = arith.constant 0 : i32
    %scan3A_7 = arith.constant 0 : i32
    %scan3A_8 = arith.constant 20 : i32
    %scan3A_9 = arith.addi %scan3A_7, %scan3A_8 : i32
    %scan3A_10 = arith.constant 1 : i32
    scf.for %scan3A_12 = %scan3A_7 to %scan3A_9 step %scan3A_10  : i32 {
      %dma_wait3A = arith.constant 0 : i32
      %dma_wait3A_13 = arith.constant 0 : i32
      %dma_wait3A_14 = tpu.memref_slice %arg6[%scan3A_12, %dma_wait3A, %dma_wait3A_13] : memref<20x125x16xf32, #tpu.memory_space<vmem>> -> memref<1x125x16xf32, #tpu.memory_space<vmem>>
      %dma_wait3A_15 = tpu.memref_squeeze %dma_wait3A_14 : memref<1x125x16xf32, #tpu.memory_space<vmem>> -> memref<125x16xf32, #tpu.memory_space<vmem>>
      %dma_wait3A_16 = arith.constant 0 : i32
      %dma_wait3A_17 = tpu.memref_slice %arg5[%scan3A_12, %dma_wait3A_16] : memref<20x125xi32, #tpu.memory_space<vmem>> -> memref<1x125xi32, #tpu.memory_space<vmem>>
      %dma_wait3A_18 = tpu.memref_squeeze %dma_wait3A_17 : memref<1x125xi32, #tpu.memory_space<vmem>> -> memref<125xi32, #tpu.memory_space<vmem>>
      %dma_wait3A_19 = arith.constant 0 : i32
      %dma_wait3A_20 = arith.constant 0 : i32
      %dma_wait3A_21 = tpu.memref_slice %arg2[%dma_wait3A_19, %dma_wait3A_20] : memref<10000x16xf32, #tpu.memory_space<hbm>> -> memref<10000x16xf32, #tpu.memory_space<hbm>>
      tpu.wait_indirect_dma semaphore(%arg7 : memref<!tpu.dma_semaphore, #tpu.memory_space<semaphore_mem>>) src(%dma_wait3A_21 : memref<10000x16xf32, #tpu.memory_space<hbm>>) dst(%dma_wait3A_15 : memref<125x16xf32, #tpu.memory_space<vmem>>)
    }
    %scan3A_11 = arith.constant 20 : i32
    "tpu.region"() ({
      %run_scoped3A = tpu.sem_alloc : memref<!tpu.dma_semaphore, #tpu.memory_space<semaphore_mem>>
      %dma_start3A = arith.constant 0 : i32
      %dma_start3A_12 = arith.constant 0 : i32
      %dma_start3A_13 = arith.constant 0 : i32
      %dma_start3A_14 = tpu.memref_slice %arg4[%add3A, %dma_start3A, %dma_start3A_12, %dma_start3A_13] : memref<32x20x125x16xf32, #tpu.memory_space<hbm>> -> memref<1x20x125x16xf32, #tpu.memory_space<hbm>>
      %dma_start3A_15 = tpu.memref_squeeze %dma_start3A_14 : memref<1x20x125x16xf32, #tpu.memory_space<hbm>> -> memref<20x125x16xf32, #tpu.memory_space<hbm>>
      %dma_start3A_16 = arith.constant 0 : i32
      %dma_start3A_17 = arith.constant 0 : i32
      %dma_start3A_18 = arith.constant 0 : i32
      %dma_start3A_19 = tpu.memref_slice %arg4[%add3A, %dma_start3A_16, %dma_start3A_17, %dma_start3A_18] : memref<32x20x125x16xf32, #tpu.memory_space<hbm>> -> memref<1x20x125x16xf32, #tpu.memory_space<hbm>>
      %dma_start3A_20 = tpu.memref_squeeze %dma_start3A_19 : memref<1x20x125x16xf32, #tpu.memory_space<hbm>> -> memref<20x125x16xf32, #tpu.memory_space<hbm>>
      tpu.enqueue_dma source(%arg6 : memref<20x125x16xf32, #tpu.memory_space<vmem>>) target(%dma_start3A_20 : memref<20x125x16xf32, #tpu.memory_space<hbm>>) target_semaphore(%run_scoped3A : memref<!tpu.dma_semaphore, #tpu.memory_space<semaphore_mem>>)
      %dma_wait3A = arith.constant 0 : i32
      %dma_wait3A_21 = arith.constant 0 : i32
      %dma_wait3A_22 = arith.constant 0 : i32
      %dma_wait3A_23 = tpu.memref_slice %arg4[%add3A, %dma_wait3A, %dma_wait3A_21, %dma_wait3A_22] : memref<32x20x125x16xf32, #tpu.memory_space<hbm>> -> memref<1x20x125x16xf32, #tpu.memory_space<hbm>>
      %dma_wait3A_24 = tpu.memref_squeeze %dma_wait3A_23 : memref<1x20x125x16xf32, #tpu.memory_space<hbm>> -> memref<20x125x16xf32, #tpu.memory_space<hbm>>
      %dma_wait3A_25 = arith.constant 0 : i32
      %dma_wait3A_26 = arith.constant 0 : i32
      %dma_wait3A_27 = arith.constant 0 : i32
      %dma_wait3A_28 = tpu.memref_slice %arg4[%add3A, %dma_wait3A_25, %dma_wait3A_26, %dma_wait3A_27] : memref<32x20x125x16xf32, #tpu.memory_space<hbm>> -> memref<1x20x125x16xf32, #tpu.memory_space<hbm>>
      %dma_wait3A_29 = tpu.memref_squeeze %dma_wait3A_28 : memref<1x20x125x16xf32, #tpu.memory_space<hbm>> -> memref<20x125x16xf32, #tpu.memory_space<hbm>>
      tpu.wait_dma2 semaphore(%run_scoped3A : memref<!tpu.dma_semaphore, #tpu.memory_space<semaphore_mem>>) src(%arg6 : memref<20x125x16xf32, #tpu.memory_space<vmem>>) dst(%dma_wait3A_29 : memref<20x125x16xf32, #tpu.memory_space<hbm>>)
      tpu.yield
    }) : () -> ()
    return
  }
}

</mosaic_0001>

<sc_bundles>
// kernel: _sc_gather.3.cloned.1.call-start
scs
__scs_entry_jumppad:
0x0: {  	(pc) =	sbr.rel $0x88, $3  }
0x1: {  	(tag) =	ssettag $0x0;
	lr =	simm.s32 $0x1  }
0x2: {  	[smem:$0x3F9F] =	sst lr;
	_ =	strace $0xD0000000  }
0x3: {  	_ = 	snop  }
0x4: {  	_ = 	snop  }
0x5: {  	_ = 	snop  }
0x6: {  	_ = 	snop  }
0x7: {  	_ = 	snop  }
__scs_overlays_trampoline_lowered:
0x8: {  	[smem:$0x3FAE] =	sst s0  }
0x9: {  	[smem:$0x3FAF] =	sst s1  }
0xa: {  	[smem:$0x3FB0] =	sst s2  }
0xb: {  	[smem:$0x3FB1] =	sst s3  }
0xc: {  	[smem:$0x3FB2] =	sst s4  }
0xd: {  	[smem:$0x3FB3] =	sst s5  }
0xe: {  	[smem:$0x3FB4] =	sst s6  }
0xf: {  	[smem:$0x3FB5] =	sst s7  }
0x10: {  	[smem:$0x3FB6] =	sst s8  }
0x11: {  	[smem:$0x3FB7] =	sst s9;
	s0 =	simm.s32 @!p0 $0x0  }
0x12: {  	s1 =	sld [smem:$0x3F9D];
	s0 =	simm.s32 @p0 $0x1  }
0x13: {  	[smem:$0x3FB8] =	sst s0;
	s0 =	simm.s32 @!p1 $0x0  }
0x14: {  	s2 =	sld [smem:$0x3F9C];
	s0 =	simm.s32 @p1 $0x1  }
0x15: {  	[smem:$0x3FB9] =	sst s0;
	s0 =	simm.s32 @!p2 $0x0  }
0x16: {  	s3 =	sld [smem:$0x3FDB];
	s0 =	simm.s32 @p2 $0x1  }
0x17: {  	s4 =	simm.s32 $0x1BF5;
	[smem:$0x3FBB] =	sst s0  }
0x18: {  	s0 =	sld [smem:$0x3F9E];
	_ =	swait.ge [sflag:s4], $0x0  }
0x19: {  	s7 =	sld [smem:$0x3F9F]  }
0x1a: {  	s8 =	sadd.s32 $0xFFFFE003, lr  }
0x1b: {  	s9 =	sadd.s32 $0xFFFFFEF7, lr;
	s5 =	simm.s32 $0xFFFFFFFF;
	p2 =	slt.u32 s8, $0xFFFFF086  }
0x1c: {  	p1 =	slt.u32 s9, $0xF7A;
	s5 =	simm.s32 @!p2 $0x0  }
0x1d: {  	s5 =	simm.s32 @p1 $0x1;
	p0 =	seq.s32 s7, s2  }
0x1e: {  	s7 =	smul.u32 @!p0 $0xF7A, s2;
	p2 =	seq.s32 @!p0 s5, $0x0  }
0x1f: {  	s9 =	smul.u32 $0xF7A, s1;
	s8 =	simm.s32 @!p0 $0x1BF5;
	p2 =	por !p2, p0  }
0x20: {  	[sflag:s8] =	ssyncset.s32 @!p0 $0xFFFFF086;
	s6 =	sadd.s32 @!p0 s3, s7;
	s7 =	simm.s32 @!p0 $0x108  }
0x21: {  	s3 =	sadd.s32 s3, s9;
	s6 =	sadd.s32 @!p0 $0x88, s6;
	s7 =	simm.s32 @p2 $0x1082  }
0x22: {  	[simem:s7], [sflag:s8] =	dma.local @!p0 [hbm:s6], $0xF7A  }
0x23: {  	s9 =	sor.u32 $0xD0000000, s2;
	s6 =	simm.s32 $0x108;
	_ =	swait.ge @!p0 [sflag:s8], $0x0  }
0x24: {  	s3 =	sadd.s32 $0x88, s3;
	s6 =	simm.s32 @!p1 $0x1082;
	[sflag:s4] =	ssyncset.s32 $0xFFFFF086  }
0x25: {  	[simem:s6], [sflag:s4] =	dma.local [hbm:s3], $0xF7A  }
0x26: {  	[smem:$0x3F9F] =	sst s1;
	(tag) =	ssettag s2;
	_ =	strace s9  }
0x27: {  	s1 =	sld [smem:$0x3FAF]  }
0x28: {  	s2 =	sld [smem:$0x3FB0]  }
0x29: {  	s4 =	sld [smem:$0x3FB2]  }
0x2a: {  	p0 =	seq.s32 s5, $0x0;
	s5 =	sld [smem:$0x3FB3]  }
0x2b: {  	s6 =	sld [smem:$0x3FB4]  }
0x2c: {  	s7 =	sld [smem:$0x3FB5]  }
0x2d: {  	s3 =	simm.s32 $0x108;
	s8 =	sld [smem:$0x3FB6]  }
0x2e: {  	s3 =	simm.s32 @!p0 $0x1082;
	s9 =	sld [smem:$0x3FB7]  }
0x2f: {  	lr =	sadd.s32 s0, s3;
	s0 =	sld [smem:$0x3FAE]  }
0x30: {  	s3 =	sld [smem:$0x3FB1]  }
0x31: {  	[smem:$0x3FBA] =	sst s10  }
0x32: {  	s10 =	sld [smem:$0x3FB8];
	_ =	sdelay $0x3  }
0x33: {  	p0 =	seq.s32 s10, $0x1;
	s10 =	sld [smem:$0x3FBA];
	_ =	sdelay $0x3  }
0x34: {  	[smem:$0x3FBA] =	sst s10  }
0x35: {  	s10 =	sld [smem:$0x3FB9];
	_ =	sdelay $0x3  }
0x36: {  	p1 =	seq.s32 s10, $0x1;
	s10 =	sld [smem:$0x3FBA];
	_ =	sdelay $0x3  }
0x37: {  	[smem:$0x3FBA] =	sst s10  }
0x38: {  	s10 =	sld [smem:$0x3FBB]  }
0x39: {  	_ = 	snop;
	(pc) =	sbr.ind lr, $3  }
0x3a: {  	_ = 	snop  }
0x3b: {  	_ = 	snop  }
0x3c: {  	p2 =	seq.s32 s10, $0x1;
	s10 =	sld [smem:$0x3FBA]  }
0x3d: {  	_ =	shalt  }
0x3e: {  	_ =	shalt  }
0x3f: {  	_ =	shalt  }
0x40: {  	_ =	shalt  }
0x41: {  	_ =	shalt  }
0x42: {  	_ =	shalt  }
0x43: {  	_ =	shalt  }
0x44: {  	_ =	shalt  }
0x45: {  	_ =	shalt  }
0x46: {  	_ =	shalt  }
0x47: {  	_ =	shalt  }
0x48: {  	_ =	shalt  }
0x49: {  	_ =	shalt  }
0x4a: {  	_ =	shalt  }
0x4b: {  	_ =	shalt  }
0x4c: {  	_ =	shalt  }
0x4d: {  	_ =	shalt  }
0x4e: {  	_ =	shalt  }
0x4f: {  	_ =	shalt  }
0x50: {  	_ =	shalt  }
0x51: {  	_ =	shalt  }
0x52: {  	_ =	shalt  }
0x53: {  	_ =	shalt  }
0x54: {  	_ =	shalt  }
0x55: {  	_ =	shalt  }
0x56: {  	_ =	shalt  }
0x57: {  	_ =	shalt  }
0x58: {  	_ =	shalt  }
0x59: {  	_ =	shalt  }
0x5a: {  	_ =	shalt  }
0x5b: {  	_ =	shalt  }
0x5c: {  	_ =	shalt  }
0x5d: {  	_ =	shalt  }
0x5e: {  	_ =	shalt  }
0x5f: {  	_ =	shalt  }
0x60: {  	_ =	shalt  }
0x61: {  	_ =	shalt  }
0x62: {  	_ =	shalt  }
0x63: {  	_ =	shalt  }
0x64: {  	_ =	shalt  }
0x65: {  	_ =	shalt  }
0x66: {  	_ =	shalt  }
0x67: {  	_ =	shalt  }
0x68: {  	_ =	shalt  }
0x69: {  	_ =	shalt  }
0x6a: {  	_ =	shalt  }
0x6b: {  	_ =	shalt  }
0x6c: {  	_ =	shalt  }
0x6d: {  	_ =	shalt  }
0x6e: {  	_ =	shalt  }
0x6f: {  	_ =	shalt  }
0x70: {  	_ =	shalt  }
0x71: {  	_ =	shalt  }
0x72: {  	_ =	shalt  }
0x73: {  	_ =	shalt  }
0x74: {  	_ =	shalt  }
0x75: {  	_ =	shalt  }
0x76: {  	_ =	shalt  }
0x77: {  	_ =	shalt  }
0x78: {  	_ =	shalt  }
0x79: {  	_ =	shalt  }
0x7a: {  	_ =	shalt  }
0x7b: {  	_ =	shalt  }
0x7c: {  	_ =	shalt  }
0x7d: {  	_ =	shalt  }
0x7e: {  	_ =	shalt  }
0x7f: {  	_ =	shalt  }
0x80: {  	_ =	shalt  }
0x81: {  	_ =	shalt  }
0x82: {  	_ =	shalt  }
0x83: {  	_ =	shalt  }
0x84: {  	_ =	shalt  }
0x85: {  	_ =	shalt  }
0x86: {  	_ =	shalt  }
0x87: {  	_ =	shalt  }
.Lfunc_end0:
.L_simem_size_0:
called_computation_lowered:
.L_overlay_start_0:
0x88: {  	s2 =	sld [smem:$0x3FD9]  }
0x89: {  	s3 =	sld [smem:$0x3FFE];
	_ =	sdelay $0x1  }
0x8a: {  	s1 =	srdreg.scid  }
0x8b: {  	s0 =	sand.u32 $0x1, s1  }
0x8c: {  	s17 =	sshll.u32 s0, $0xA;
	s2 =	sadd.s32 s3, s2  }
0x8d: {  	s2 =	sadd.s32 s2, s17  }
0x8e: {  	[smem:$0x3FC6] =	sst s2  }
0x8f: {  	_ = 	snop  }
0x90: {  	s2 =	sld [smem:$0x3FD0];
	(tm) =	ssettm $0x1  }
0x91: {  	s18 =	sld [smem:$0x3FFB];
	_ =	sdelay $0x3  }
0x92: {  	_ =	strace s18  }
0x93: {  	s3 =	sld [smem:$0x3FFC];
	_ =	sdelay $0x3  }
0x94: {  	_ =	strace s3  }
0x95: {  	s3 =	sld [smem:$0x3FFD];
	_ =	sdelay $0x3  }
0x96: {  	_ =	strace s3  }
0x97: {  	_ =	strace $0x8FFFFFFF  }
0x98: {  	s19 =	sld [smem:$0x3FDB];
	_ =	sdelay $0x1  }
0x99: {  	s4 =	simm.s32 $_scs_section_size  }
0x9a: {  	s5 =	simm.s32 $_size__tile_overlayer_lowered;
	s6 =	simm.s32 $_tile_overlayer_lowered  }
0x9b: {  	s22 =	simm.s32 $0x1BFF;
	s21 =	sshll.u32 s6, $0x1;
	s3 =	sadd.s32 s4, s19  }
0x9c: {  	s7 =	simm.s32 $0x0;
	s20 =	sshll.u32 s5, $0x1;
	s5 =	sadd.s32 s21, s3  }
0x9d: {  	[timem:s7], [sflag:s22] =	dma.local [hbm:s5], s20  }
0x9e: {  	_ =	swait.ge [sflag:s22], s20  }
0x9f: {  	s4 =	ssub.s32 $0x0, s20;
	[sflag:s22] =	ssyncset.done $0x0  }
0xa0: {  	[sflag:s22] =	ssyncadd.s32 s4;
	_ =	sdelay $0x1  }
0xa1: {  	s23 =	simm.s32 $0x1B8B  }
0xa2: {  	_ =	swait.ge [sflag:s23], $0x1  }
0xa3: {  	[sflag:s23] =	ssyncset.done $0x0  }
0xa4: {  	s25 =	simm.s32 $0x1B8E;
	s24 =	sld [smem:$0x3FFE];
	[sflag:s23] =	ssyncadd.s32 $0xFFFFFFFF  }
0xa5: {  	s26 =	simm.s32 $execute0_lowered;
	[smem:$0x3FD2] =	sst s25  }
0xa6: {  	s5 =	sshll.u32 s26, $0x1;
	_ =	strace $0x80000046;
	[dreg:$0x1] =	wrdreg $0xFFFFFFFF  }
0xa7: {  	s28 =	simm.s32 $_size_execute0_lowered;
	s3 =	sadd.s32 s3, s5;
	[dreg:$0x0] =	wrdreg $0x0  }
0xa8: {  	s5 =	sshll.u32 s28, $0x1;
	[dreg:$0x2] =	wrdreg s3  }
0xa9: {  	[dreg:$0x3] =	wrdreg s5  }
0xaa: {  	[dreg:$0x4] =	wrdreg $0xC0  }
0xab: {  	_ =	task [dreg:s7], $0x5FFFF  }
0xac: {  	[dreg:$0x1] =	wrdreg $0xFFFFFFFF  }
0xad: {  	[dreg:$0x0] =	wrdreg $0x60  }
0xae: {  	[dreg:$0x2] =	wrdreg s24  }
0xaf: {  	[dreg:$0x3] =	wrdreg s2  }
0xb0: {  	[dreg:$0x4] =	wrdreg $0x9  }
0xb1: {  	_ =	task.clear_ibuf [dreg:s7], $0x5FFFF;
	_ =	strace $0x90000046  }
0xb2: {  	s29 =	simm.s32 $0x9;
	_ =	strace $0x80000048  }
0xb3: {  	_ =	swait.ge [sflag:s29], $0x1  }
0xb4: {  	[sflag:s29] =	ssyncadd.s32 $0xFFFFFFFF  }
0xb5: {  	_ =	strace $0x90000048  }
0xb6: {  	_ =	sfence  }
0xb7: {  	s30 =	sld [smem:$0x0];
	_ =	sdelay $0x2  }
0xb8: {  	s31 =	sshll.u32 s1, $0xD;
	s1 =	sshrl.u32 s1, $0x2  }
0xb9: {  	s3 =	sand.u32 $0x4000, s31;
	s1 =	sadd.s32 s1, s30  }
0xba: {  	s0 =	sor.u32 s3, s0;
	s1 =	sshll.u32 s1, $0x11  }
0xbb: {  	s0 =	sor.u32 s1, s0  }
0xbc: {  	s0 =	sadd.s32 $0x8F2B, s0  }
0xbd: {  	[sflag:s0] =	ssyncadd.remote.s32 $0x1  }
0xbe: {  	_ =	sfence.sel $0xFFFF  }
0xbf: {  	[dreg:$0x0] =	wrdreg $0xFFFFFFFF;
	(pc) =	sbr.abs _section_cstart, $3  }
0xc0: {  	[dreg:$0x1] =	wrdreg $0xFFFFFFFF  }
0xc1: {  	_ =	task.clear_ibuf [dreg:s7], $0x2FFFF;
	_ =	strace $0x9FFFFFFF  }
0xc2: {  	(tm) =	ssettm $0x7FFFFFFF  }
0xc3: {  	_ =	shalt  }
tec
execute0_lowered:
.L_overlay_start_1:
0x0: {  	(tag) =	ssettag $0x1  }
0x1: {  	s1 =	srdreg.scid;
	s0 =	stileid.u32  }
0x2: {  	s4 =	rddreg [dreg:$0x0];
	s1 =	sand.u32 $0x1, s1;
	s2 =	sshll.u32 s0, $0x1  }
0x3: {  	s5 =	rddreg [dreg:$0x1];
	s3 =	sor.u32 s1, s2;
	s2 =	simm.s32 $0x0  }
0x4: {  	s25 =	simm.s32 $0x80;
	[smem:$0x7FF] =	sst s2  }
0x5: {  	s26 =	simm.s32 $0x11D0;
	_ =	strace $0x80000047;
	[dreg:$0x5] =	wrdreg s25  }
0x6: {  	s0 =	simm.s32 $0x100;
	[dreg:$0x6] =	wrdreg s26  }
0x7: {  	s7 =	simm.s32 $0x2170;
	[dreg:$0x7] =	wrdreg s0  }
0x8: {  	s8 =	simm.s32 $0x200;
	[dreg:$0xa] =	wrdreg s7  }
0x9: {  	s9 =	simm.s32 $0x2940;
	[dreg:$0xb] =	wrdreg s8  }
0xa: {  	s10 =	simm.s32 $0x280;
	[dreg:$0xc] =	wrdreg s9  }
0xb: {  	s11 =	simm.s32 $0x3110;
	[dreg:$0xd] =	wrdreg s10  }
0xc: {  	s12 =	simm.s32 $0x300;
	[dreg:$0xe] =	wrdreg s11  }
0xd: {  	s13 =	simm.s32 $0x38E0;
	[dreg:$0xf] =	wrdreg s12  }
0xe: {  	s14 =	simm.s32 $0x380;
	s6 =	smul.u32 $0x140, s3;
	[dreg:$0x10] =	wrdreg s13  }
0xf: {  	s15 =	simm.s32 $0x40B0;
	s3 =	smul.u32 $0x1388, s3;
	[dreg:$0x11] =	wrdreg s14  }
0x10: {  	s17 =	simm.s32 $0x400;
	[dreg:$0x12] =	wrdreg s15  }
0x11: {  	[dreg:$0x13] =	wrdreg s17;
	s3 =	sadd.s32 s5, s3  }
0x12: {  	s6 =	sadd.s32 s6, s4;
	s5 =	simm.s32 $0x19A0;
	[dreg:$0x4] =	wrdreg s3  }
0x13: {  	s6 =	sadd.s32 $0x400, s6;
	[dreg:$0x8] =	wrdreg s5  }
0x14: {  	[dreg:$0x3] =	wrdreg s6;
	s6 =	simm.s32 $0x180  }
0x15: {  	[dreg:$0x9] =	wrdreg s6  }
0x16: {  	s3 =	simm.s32 $0x2;
	s16 =	rddreg [dreg:$0x3]  }
0x17: {  	[tilespmem:s2], [sflag:$0x2] =	stream.linear.gather [hbm4b:s16+s2], $0xA00, $0x38;
	[tilespmem:$0xA640] =	vst v63  }
0x18: {  	_ =	swait.ge [sflag:s3], $0xA00  }
0x19: {  	s7 =	rddreg [dreg:$0x12]  }
0x1a: {  	s8 =	rddreg [dreg:$0x10]  }
0x1b: {  	s9 =	rddreg [dreg:$0xe]  }
0x1c: {  	s10 =	rddreg [dreg:$0xc]  }
0x1d: {  	s4 =	sadd.s32 $0x2C00, s4;
	s11 =	rddreg [dreg:$0x9]  }
0x1e: {  	s5 =	simm.s32 $0xA00;
	s12 =	rddreg [dreg:$0x7];
	[sflag:s3] =	ssyncset.done $0x0  }
0x1f: {  	s6 =	simm.s32 $0x7D;
	s13 =	rddreg [dreg:$0x5];
	[sflag:s3] =	ssyncadd.s32 $0xFFFFF600  }
0x20: {  	[tilespmem:s5], [sflag:$0x1] =	stream.indirect.gather [hbm4b:s4+s6], $0x10, s2, s6, $0xb8;
	[tilespmem:$0xA640] =	vst v63  }
0x21: {  	s14 =	rddreg [dreg:$0x6]  }
0x22: {  	[tilespmem:s14], [sflag:$0x1] =	stream.indirect.gather [hbm4b:s4+s6], $0x10, s13, s6, $0xb8;
	[tilespmem:$0xA640] =	vst v63  }
0x23: {  	s15 =	rddreg [dreg:$0x8]  }
0x24: {  	[tilespmem:s15], [sflag:$0x1] =	stream.indirect.gather [hbm4b:s4+s6], $0x10, s12, s6, $0xb8;
	[tilespmem:$0xA640] =	vst v63  }
0x25: {  	s18 =	rddreg [dreg:$0xa]  }
0x26: {  	[tilespmem:s18], [sflag:$0x1] =	stream.indirect.gather [hbm4b:s4+s6], $0x10, s11, s6, $0xb8;
	[tilespmem:$0xA640] =	vst v63  }
0x27: {  	s19 =	rddreg [dreg:$0xb]  }
0x28: {  	[tilespmem:s10], [sflag:$0x1] =	stream.indirect.gather [hbm4b:s4+s6], $0x10, s19, s6, $0xb8;
	[tilespmem:$0xA640] =	vst v63  }
0x29: {  	s20 =	rddreg [dreg:$0xd]  }
0x2a: {  	[tilespmem:s9], [sflag:$0x1] =	stream.indirect.gather [hbm4b:s4+s6], $0x10, s20, s6, $0xb8;
	[tilespmem:$0xA640] =	vst v63  }
0x2b: {  	s21 =	rddreg [dreg:$0xf]  }
0x2c: {  	[tilespmem:s8], [sflag:$0x1] =	stream.indirect.gather [hbm4b:s4+s6], $0x10, s21, s6, $0xb8;
	[tilespmem:$0xA640] =	vst v63  }
0x2d: {  	s22 =	rddreg [dreg:$0x11]  }
0x2e: {  	[tilespmem:s7], [sflag:$0x1] =	stream.indirect.gather [hbm4b:s4+s6], $0x10, s22, s6, $0xb8;
	[tilespmem:$0xA640] =	vst v63  }
0x2f: {  	s24 =	simm.s32 $0x4880;
	s23 =	rddreg [dreg:$0x13]  }
0x30: {  	[tilespmem:s24], [sflag:$0x1] =	stream.indirect.gather [hbm4b:s4+s6], $0x10, s23, s6, $0xb8;
	[tilespmem:$0xA640] =	vst v63  }
0x31: {  	s25 =	simm.s32 $0x480;
	s26 =	simm.s32 $0x5050  }
0x32: {  	[tilespmem:s26], [sflag:$0x1] =	stream.indirect.gather [hbm4b:s4+s6], $0x10, s25, s6, $0xb8;
	[tilespmem:$0xA640] =	vst v63  }
0x33: {  	s9 =	simm.s32 $0x5820;
	s8 =	simm.s32 $0x500  }
0x34: {  	[tilespmem:s9], [sflag:$0x1] =	stream.indirect.gather [hbm4b:s4+s6], $0x10, s8, s6, $0xb8;
	[tilespmem:$0xA640] =	vst v63  }
0x35: {  	s11 =	simm.s32 $0x5FF0;
	s10 =	simm.s32 $0x580  }
0x36: {  	[tilespmem:s11], [sflag:$0x1] =	stream.indirect.gather [hbm4b:s4+s6], $0x10, s10, s6, $0xb8;
	[tilespmem:$0xA640] =	vst v63  }
0x37: {  	s13 =	simm.s32 $0x67C0;
	s12 =	simm.s32 $0x600  }
0x38: {  	[tilespmem:s13], [sflag:$0x1] =	stream.indirect.gather [hbm4b:s4+s6], $0x10, s12, s6, $0xb8;
	[tilespmem:$0xA640] =	vst v63  }
0x39: {  	s17 =	simm.s32 $0x6F90;
	s16 =	simm.s32 $0x680  }
0x3a: {  	[tilespmem:s17], [sflag:$0x1] =	stream.indirect.gather [hbm4b:s4+s6], $0x10, s16, s6, $0xb8;
	[tilespmem:$0xA640] =	vst v63  }
0x3b: {  	s18 =	simm.s32 $0x700;
	s19 =	simm.s32 $0x7760  }
0x3c: {  	[tilespmem:s19], [sflag:$0x1] =	stream.indirect.gather [hbm4b:s4+s6], $0x10, s18, s6, $0xb8;
	[tilespmem:$0xA640] =	vst v63  }
0x3d: {  	s20 =	simm.s32 $0x780;
	s21 =	simm.s32 $0x7F30  }
0x3e: {  	[tilespmem:s21], [sflag:$0x1] =	stream.indirect.gather [hbm4b:s4+s6], $0x10, s20, s6, $0xb8;
	[tilespmem:$0xA640] =	vst v63  }
0x3f: {  	s22 =	simm.s32 $0x800;
	s23 =	simm.s32 $0x8700  }
0x40: {  	[tilespmem:s23], [sflag:$0x1] =	stream.indirect.gather [hbm4b:s4+s6], $0x10, s22, s6, $0xb8;
	[tilespmem:$0xA640] =	vst v63  }
0x41: {  	s24 =	simm.s32 $0x880;
	s25 =	simm.s32 $0x8ED0  }
0x42: {  	[tilespmem:s25], [sflag:$0x1] =	stream.indirect.gather [hbm4b:s4+s6], $0x10, s24, s6, $0xb8;
	[tilespmem:$0xA640] =	vst v63  }
0x43: {  	s28 =	simm.s32 $0x96A0;
	s26 =	simm.s32 $0x900  }
0x44: {  	[tilespmem:s28], [sflag:$0x1] =	stream.indirect.gather [hbm4b:s4+s6], $0x10, s26, s6, $0xb8;
	[tilespmem:$0xA640] =	vst v63  }
0x45: {  	s30 =	simm.s32 $0x980;
	s31 =	simm.s32 $0x9E70;
	s29 =	simm.s32 $0x1  }
0x46: {  	[tilespmem:s31], [sflag:$0x1] =	stream.indirect.gather [hbm4b:s4+s6], $0x10, s30, s6, $0xb8;
	[tilespmem:$0xA640] =	vst v63  }
0x47: {  	_ =	swait.ge [sflag:s29], $0x7D0  }
0x48: {  	[sflag:s29] =	ssyncset.done $0x0  }
0x49: {  	[sflag:s29] =	ssyncadd.s32 $0xFFFFF830  }
0x4a: {  	_ =	swait.ge [sflag:s29], $0x7D0  }
0x4b: {  	[sflag:s29] =	ssyncset.done $0x0  }
0x4c: {  	[sflag:s29] =	ssyncadd.s32 $0xFFFFF830  }
0x4d: {  	_ =	swait.ge [sflag:s29], $0x7D0  }
0x4e: {  	[sflag:s29] =	ssyncset.done $0x0  }
0x4f: {  	[sflag:s29] =	ssyncadd.s32 $0xFFFFF830  }
0x50: {  	_ =	swait.ge [sflag:s29], $0x7D0  }
0x51: {  	[sflag:s29] =	ssyncset.done $0x0  }
0x52: {  	[sflag:s29] =	ssyncadd.s32 $0xFFFFF830  }
0x53: {  	_ =	swait.ge [sflag:s29], $0x7D0  }
0x54: {  	[sflag:s29] =	ssyncset.done $0x0  }
0x55: {  	[sflag:s29] =	ssyncadd.s32 $0xFFFFF830  }
0x56: {  	_ =	swait.ge [sflag:s29], $0x7D0  }
0x57: {  	[sflag:s29] =	ssyncset.done $0x0  }
0x58: {  	[sflag:s29] =	ssyncadd.s32 $0xFFFFF830  }
0x59: {  	_ =	swait.ge [sflag:s29], $0x7D0  }
0x5a: {  	[sflag:s29] =	ssyncset.done $0x0  }
0x5b: {  	[sflag:s29] =	ssyncadd.s32 $0xFFFFF830  }
0x5c: {  	_ =	swait.ge [sflag:s29], $0x7D0  }
0x5d: {  	[sflag:s29] =	ssyncset.done $0x0  }
0x5e: {  	[sflag:s29] =	ssyncadd.s32 $0xFFFFF830  }
0x5f: {  	_ =	swait.ge [sflag:s29], $0x7D0  }
0x60: {  	[sflag:s29] =	ssyncset.done $0x0  }
0x61: {  	[sflag:s29] =	ssyncadd.s32 $0xFFFFF830  }
0x62: {  	_ =	swait.ge [sflag:s29], $0x7D0  }
0x63: {  	[sflag:s29] =	ssyncset.done $0x0  }
0x64: {  	[sflag:s29] =	ssyncadd.s32 $0xFFFFF830  }
0x65: {  	_ =	swait.ge [sflag:s29], $0x7D0  }
0x66: {  	[sflag:s29] =	ssyncset.done $0x0  }
0x67: {  	[sflag:s29] =	ssyncadd.s32 $0xFFFFF830  }
0x68: {  	_ =	swait.ge [sflag:s29], $0x7D0  }
0x69: {  	[sflag:s29] =	ssyncset.done $0x0  }
0x6a: {  	[sflag:s29] =	ssyncadd.s32 $0xFFFFF830  }
0x6b: {  	_ =	swait.ge [sflag:s29], $0x7D0  }
0x6c: {  	[sflag:s29] =	ssyncset.done $0x0  }
0x6d: {  	[sflag:s29] =	ssyncadd.s32 $0xFFFFF830  }
0x6e: {  	_ =	swait.ge [sflag:s29], $0x7D0  }
0x6f: {  	[sflag:s29] =	ssyncset.done $0x0  }
0x70: {  	[sflag:s29] =	ssyncadd.s32 $0xFFFFF830  }
0x71: {  	_ =	swait.ge [sflag:s29], $0x7D0  }
0x72: {  	[sflag:s29] =	ssyncset.done $0x0  }
0x73: {  	[sflag:s29] =	ssyncadd.s32 $0xFFFFF830  }
0x74: {  	_ =	swait.ge [sflag:s29], $0x7D0  }
0x75: {  	[sflag:s29] =	ssyncset.done $0x0  }
0x76: {  	[sflag:s29] =	ssyncadd.s32 $0xFFFFF830  }
0x77: {  	s1 =	ssub.s32 $0x2, s1;
	_ =	swait.ge [sflag:s29], $0x7D0  }
0x78: {  	s14 =	sshrl.u32 s1, $0x1;
	[sflag:s29] =	ssyncset.done $0x0  }
0x79: {  	s0 =	ssub.s32 s1, s14;
	[sflag:s29] =	ssyncadd.s32 $0xFFFFF830  }
0x7a: {  	s0 =	smax.u32 s0, $0x1;
	_ =	swait.ge [sflag:s29], $0x7D0  }
0x7b: {  	p0 =	sne.s32 s0, $0x1;
	[sflag:s29] =	ssyncset.done $0x0  }
.Ltmp0:
0x7c: {  	[sflag:s29] =	ssyncadd.s32 $0xFFFFF830;
	(pc) =	sbr.rel @!p0 .LBB2_2-.Ltmp0, $4  }
0x7d: {  	_ =	swait.ge [sflag:s29], $0x7D0  }
0x7e: {  	[sflag:s29] =	ssyncset.done $0x0  }
0x7f: {  	[sflag:s29] =	ssyncadd.s32 $0xFFFFF830  }
0x80: {  	s15 =	simm.s32 $0x67C0;
	s1 =	sadd.s32 $0xFFFFFFFF, s0;
	_ =	swait.ge [sflag:s29], $0x7D0  }
.LBB2_1:
0x81: {  	[sflag:s29] =	ssyncset.done $0x0  }
0x82: {  	s0 =	rddreg [dreg:$0x4];
	[sflag:s29] =	ssyncadd.s32 $0xFFFFF830  }
0x83: {  	[hbm4b:s0+s2] =	stream.linear.scatter [tilespmem:s5], [sflag:$0x2], $0x9C40, $0x38;
	[tilespmem:$0xA640] =	vst v63  }
0x84: {  	_ =	swait.ge [sflag:s3], $0x9C40  }
0x85: {  	[sflag:s3] =	ssyncset.done $0x0  }
0x86: {  	s12 =	rddreg [dreg:$0x3];
	[sflag:s3] =	ssyncadd.s32 $0xFFFF63C0  }
0x87: {  	[tilespmem:s2], [sflag:$0x2] =	stream.linear.gather [hbm4b:s12+s2], $0xA00, $0x38;
	[tilespmem:$0xA640] =	vst v63  }
0x88: {  	_ =	swait.ge [sflag:s3], $0xA00  }
0x89: {  	s0 =	rddreg [dreg:$0x12]  }
0x8a: {  	s7 =	rddreg [dreg:$0x10]  }
0x8b: {  	s8 =	rddreg [dreg:$0xe]  }
0x8c: {  	s9 =	rddreg [dreg:$0xc]  }
0x8d: {  	s10 =	rddreg [dreg:$0x9]  }
0x8e: {  	[sflag:s3] =	ssyncset.done $0x0;
	s11 =	rddreg [dreg:$0x7]  }
0x8f: {  	s12 =	rddreg [dreg:$0x5];
	[sflag:s3] =	ssyncadd.s32 $0xFFFFF600  }
0x90: {  	[tilespmem:s5], [sflag:$0x1] =	stream.indirect.gather [hbm4b:s4+s6], $0x10, s2, s6, $0xb8;
	[tilespmem:$0xA640] =	vst v63  }
0x91: {  	s13 =	rddreg [dreg:$0x6]  }
0x92: {  	[tilespmem:s13], [sflag:$0x1] =	stream.indirect.gather [hbm4b:s4+s6], $0x10, s12, s6, $0xb8;
	[tilespmem:$0xA640] =	vst v63  }
0x93: {  	s14 =	rddreg [dreg:$0x8]  }
0x94: {  	[tilespmem:s14], [sflag:$0x1] =	stream.indirect.gather [hbm4b:s4+s6], $0x10, s11, s6, $0xb8;
	[tilespmem:$0xA640] =	vst v63  }
0x95: {  	s12 =	rddreg [dreg:$0xa]  }
0x96: {  	[tilespmem:s12], [sflag:$0x1] =	stream.indirect.gather [hbm4b:s4+s6], $0x10, s10, s6, $0xb8;
	[tilespmem:$0xA640] =	vst v63  }
0x97: {  	s13 =	rddreg [dreg:$0xb]  }
0x98: {  	[tilespmem:s9], [sflag:$0x1] =	stream.indirect.gather [hbm4b:s4+s6], $0x10, s13, s6, $0xb8;
	[tilespmem:$0xA640] =	vst v63  }
0x99: {  	s14 =	rddreg [dreg:$0xd]  }
0x9a: {  	[tilespmem:s8], [sflag:$0x1] =	stream.indirect.gather [hbm4b:s4+s6], $0x10, s14, s6, $0xb8;
	[tilespmem:$0xA640] =	vst v63  }
0x9b: {  	s11 =	rddreg [dreg:$0xf]  }
0x9c: {  	[tilespmem:s7], [sflag:$0x1] =	stream.indirect.gather [hbm4b:s4+s6], $0x10, s11, s6, $0xb8;
	[tilespmem:$0xA640] =	vst v63  }
0x9d: {  	s12 =	rddreg [dreg:$0x11]  }
0x9e: {  	[tilespmem:s0], [sflag:$0x1] =	stream.indirect.gather [hbm4b:s4+s6], $0x10, s12, s6, $0xb8;
	[tilespmem:$0xA640] =	vst v63  }
0x9f: {  	s13 =	rddreg [dreg:$0x13];
	s14 =	simm.s32 $0x4880  }
0xa0: {  	[tilespmem:s14], [sflag:$0x1] =	stream.indirect.gather [hbm4b:s4+s6], $0x10, s13, s6, $0xb8;
	[tilespmem:$0xA640] =	vst v63  }
0xa1: {  	s9 =	simm.s32 $0x5050;
	s8 =	simm.s32 $0x480  }
0xa2: {  	[tilespmem:s9], [sflag:$0x1] =	stream.indirect.gather [hbm4b:s4+s6], $0x10, s8, s6, $0xb8;
	[tilespmem:$0xA640] =	vst v63  }
0xa3: {  	s10 =	simm.s32 $0x500;
	s11 =	simm.s32 $0x5820  }
0xa4: {  	[tilespmem:s11], [sflag:$0x1] =	stream.indirect.gather [hbm4b:s4+s6], $0x10, s10, s6, $0xb8;
	[tilespmem:$0xA640] =	vst v63  }
0xa5: {  	s12 =	simm.s32 $0x580;
	s13 =	simm.s32 $0x5FF0  }
0xa6: {  	[tilespmem:s13], [sflag:$0x1] =	stream.indirect.gather [hbm4b:s4+s6], $0x10, s12, s6, $0xb8;
	[tilespmem:$0xA640] =	vst v63  }
0xa7: {  	s14 =	simm.s32 $0x600  }
0xa8: {  	[tilespmem:s15], [sflag:$0x1] =	stream.indirect.gather [hbm4b:s4+s6], $0x10, s14, s6, $0xb8;
	[tilespmem:$0xA640] =	vst v63  }
0xa9: {  	_ = 	snop  }
0xaa: {  	[tilespmem:s17], [sflag:$0x1] =	stream.indirect.gather [hbm4b:s4+s6], $0x10, s16, s6, $0xb8;
	[tilespmem:$0xA640] =	vst v63  }
0xab: {  	_ = 	snop  }
0xac: {  	[tilespmem:s19], [sflag:$0x1] =	stream.indirect.gather [hbm4b:s4+s6], $0x10, s18, s6, $0xb8;
	[tilespmem:$0xA640] =	vst v63  }
0xad: {  	_ = 	snop  }
0xae: {  	[tilespmem:s21], [sflag:$0x1] =	stream.indirect.gather [hbm4b:s4+s6], $0x10, s20, s6, $0xb8;
	[tilespmem:$0xA640] =	vst v63  }
0xaf: {  	_ = 	snop  }
0xb0: {  	[tilespmem:s23], [sflag:$0x1] =	stream.indirect.gather [hbm4b:s4+s6], $0x10, s22, s6, $0xb8;
	[tilespmem:$0xA640] =	vst v63  }
0xb1: {  	_ = 	snop  }
0xb2: {  	[tilespmem:s25], [sflag:$0x1] =	stream.indirect.gather [hbm4b:s4+s6], $0x10, s24, s6, $0xb8;
	[tilespmem:$0xA640] =	vst v63  }
0xb3: {  	_ = 	snop  }
0xb4: {  	[tilespmem:s28], [sflag:$0x1] =	stream.indirect.gather [hbm4b:s4+s6], $0x10, s26, s6, $0xb8;
	[tilespmem:$0xA640] =	vst v63  }
0xb5: {  	_ = 	snop  }
0xb6: {  	[tilespmem:s31], [sflag:$0x1] =	stream.indirect.gather [hbm4b:s4+s6], $0x10, s30, s6, $0xb8;
	[tilespmem:$0xA640] =	vst v63  }
0xb7: {  	_ =	swait.ge [sflag:s29], $0x7D0  }
0xb8: {  	[sflag:s29] =	ssyncset.done $0x0  }
0xb9: {  	[sflag:s29] =	ssyncadd.s32 $0xFFFFF830  }
0xba: {  	_ =	swait.ge [sflag:s29], $0x7D0  }
0xbb: {  	[sflag:s29] =	ssyncset.done $0x0  }
0xbc: {  	[sflag:s29] =	ssyncadd.s32 $0xFFFFF830  }
0xbd: {  	_ =	swait.ge [sflag:s29], $0x7D0  }
0xbe: {  	[sflag:s29] =	ssyncset.done $0x0  }
0xbf: {  	[sflag:s29] =	ssyncadd.s32 $0xFFFFF830  }
0xc0: {  	_ =	swait.ge [sflag:s29], $0x7D0  }
0xc1: {  	[sflag:s29] =	ssyncset.done $0x0  }
0xc2: {  	[sflag:s29] =	ssyncadd.s32 $0xFFFFF830  }
0xc3: {  	_ =	swait.ge [sflag:s29], $0x7D0  }
0xc4: {  	[sflag:s29] =	ssyncset.done $0x0  }
0xc5: {  	[sflag:s29] =	ssyncadd.s32 $0xFFFFF830  }
0xc6: {  	_ =	swait.ge [sflag:s29], $0x7D0  }
0xc7: {  	[sflag:s29] =	ssyncset.done $0x0  }
0xc8: {  	[sflag:s29] =	ssyncadd.s32 $0xFFFFF830  }
0xc9: {  	_ =	swait.ge [sflag:s29], $0x7D0  }
0xca: {  	[sflag:s29] =	ssyncset.done $0x0  }
0xcb: {  	[sflag:s29] =	ssyncadd.s32 $0xFFFFF830  }
0xcc: {  	_ =	swait.ge [sflag:s29], $0x7D0  }
0xcd: {  	[sflag:s29] =	ssyncset.done $0x0  }
0xce: {  	[sflag:s29] =	ssyncadd.s32 $0xFFFFF830  }
0xcf: {  	_ =	swait.ge [sflag:s29], $0x7D0  }
0xd0: {  	[sflag:s29] =	ssyncset.done $0x0  }
0xd1: {  	[sflag:s29] =	ssyncadd.s32 $0xFFFFF830  }
0xd2: {  	_ =	swait.ge [sflag:s29], $0x7D0  }
0xd3: {  	[sflag:s29] =	ssyncset.done $0x0  }
0xd4: {  	[sflag:s29] =	ssyncadd.s32 $0xFFFFF830  }
0xd5: {  	_ =	swait.ge [sflag:s29], $0x7D0  }
0xd6: {  	[sflag:s29] =	ssyncset.done $0x0  }
0xd7: {  	[sflag:s29] =	ssyncadd.s32 $0xFFFFF830  }
0xd8: {  	_ =	swait.ge [sflag:s29], $0x7D0  }
0xd9: {  	[sflag:s29] =	ssyncset.done $0x0  }
0xda: {  	[sflag:s29] =	ssyncadd.s32 $0xFFFFF830  }
0xdb: {  	_ =	swait.ge [sflag:s29], $0x7D0  }
0xdc: {  	[sflag:s29] =	ssyncset.done $0x0  }
0xdd: {  	[sflag:s29] =	ssyncadd.s32 $0xFFFFF830  }
0xde: {  	_ =	swait.ge [sflag:s29], $0x7D0  }
0xdf: {  	[sflag:s29] =	ssyncset.done $0x0  }
0xe0: {  	[sflag:s29] =	ssyncadd.s32 $0xFFFFF830  }
0xe1: {  	_ =	swait.ge [sflag:s29], $0x7D0  }
0xe2: {  	[sflag:s29] =	ssyncset.done $0x0  }
0xe3: {  	[sflag:s29] =	ssyncadd.s32 $0xFFFFF830  }
0xe4: {  	_ =	swait.ge [sflag:s29], $0x7D0  }
0xe5: {  	[sflag:s29] =	ssyncset.done $0x0  }
0xe6: {  	[sflag:s29] =	ssyncadd.s32 $0xFFFFF830  }
0xe7: {  	_ =	swait.ge [sflag:s29], $0x7D0  }
0xe8: {  	[sflag:s29] =	ssyncset.done $0x0  }
0xe9: {  	[sflag:s29] =	ssyncadd.s32 $0xFFFFF830  }
0xea: {  	_ =	swait.ge [sflag:s29], $0x7D0  }
0xeb: {  	p0 =	sne.s32 s1, $0x1;
	[sflag:s29] =	ssyncset.done $0x0  }
.Ltmp1:
0xec: {  	[sflag:s29] =	ssyncadd.s32 $0xFFFFF830;
	(pc) =	sbr.rel @p0 .LBB2_1-.Ltmp1, $4  }
0xed: {  	_ =	swait.ge [sflag:s29], $0x7D0  }
0xee: {  	[sflag:s29] =	ssyncset.done $0x0  }
0xef: {  	[sflag:s29] =	ssyncadd.s32 $0xFFFFF830  }
0xf0: {  	s1 =	sadd.s32 $0xFFFFFFFF, s1;
	_ =	swait.ge [sflag:s29], $0x7D0  }
.LBB2_2:
0xf1: {  	[sflag:s29] =	ssyncset.done $0x0  }
0xf2: {  	s0 =	rddreg [dreg:$0x4];
	[sflag:s29] =	ssyncadd.s32 $0xFFFFF830  }
0xf3: {  	[hbm4b:s0+s2] =	stream.linear.scatter [tilespmem:s5], [sflag:$0x2], $0x9C40, $0x38;
	[tilespmem:$0xA640] =	vst v63  }
0xf4: {  	_ =	swait.ge [sflag:s3], $0x9C40  }
0xf5: {  	[sflag:s3] =	ssyncset.done $0x0  }
0xf6: {  	[sflag:s3] =	ssyncadd.s32 $0xFFFF63C0  }
0xf7: {  	_ =	sfence.sel $0x180000  }
0xf8: {  	[bflag:$0x0] =	sbarrier.arrive $0xFFFF  }
0xf9: {  	_ =	strace $0x90000047  }
0xfa: {  	s31 =	stileid.u32;
	[bflag:$0x2] =	sbarrier.arrive $0xFFFF  }
0xfb: {  	p0 =	sne.s32 s31, $0x0;
	s0 =	rddreg [dreg:$0x2]  }
0xfc: {  	s0 =	sadd.s32 @!p0 $0x100000, s0  }
0xfd: {  	[sflag:s0] =	ssyncadd.tile.s32 @!p0 $0x1;
	_ =	shalt  }
.Lfunc_end2:
_tile_overlayer_lowered:
.L_overlay_start_2:
0xfe: {  	(tag) =	ssettag $0x2  }
0xff: {  	s0 =	rddreg [dreg:$0x0];
	s2 =	stileid.u32  }
0x100: {  	s1 =	rddreg [dreg:$0x1];
	p0 =	sne.s32 s2, $0x0  }
0x101: {  	s3 =	rddreg [dreg:$0x2];
	[bflag:$0x3] =	sbarrier.arrive $0xFFFF;
	s2 =	simm.s32 @!p0 $0x1C02  }
0x102: {  	[timem:s3], [sflag:s2] =	dma.local @!p0 [hbm:s0], s1  }
0x103: {  	s0 =	simm.s32 @!p0 $0x2  }
0x104: {  	_ =	swait.ge @!p0 [sflag:s0], s1  }
0x105: {  	s1 =	ssub.s32 @!p0 $0x0, s1;
	[sflag:s0] =	ssyncset.done @!p0 $0x0  }
0x106: {  	[sflag:s0] =	ssyncadd.s32 @!p0 s1  }
0x107: {  	[bflag:$0x3] =	sbarrier.arrive $0xFFFF  }
0x108: {  	_ =	shalt  }

</sc_bundles>
